<compile_context>
chip_gen: v7x
topology: tpu7x:2x2x1
jax: 0.10.2.dev20260603
libtpu: 0.0.44.dev20260713+nightly
codegen_flags: <defaults>
</compile_context>

<pallas_src>
import functools

import jax
import jax.numpy as jnp
from jax import lax
from jax.experimental import pallas as pl
from jax.experimental.pallas import tpu as pltpu
from jax.experimental.pallas import tpu_sc as plsc

def _dot(a, b):
    return jnp.dot(a, b, preferred_element_type=jnp.float32,
                   precision=jax.lax.Precision.DEFAULT)


def _dot_exact(a, b):
    return jnp.dot(a, b, preferred_element_type=jnp.float32,
                   precision=jax.lax.Precision.HIGHEST)



_SC_MESH = plsc.VectorSubcoreMesh(core_axis_name="c", subcore_axis_name="s",
                                  num_cores=1, num_subcores=1)


@functools.partial(
    pl.kernel,
    mesh=_SC_MESH,
    compiler_params=pltpu.CompilerParams(needs_layout_passes=False),
    out_type=jax.ShapeDtypeStruct((16,), jnp.float32),
    scratch_types=[
        pltpu.VMEM((16,), jnp.int32),
        pltpu.VMEM((16,), jnp.int32),
        pltpu.VMEM((16,), jnp.float32),
        pltpu.VMEM((16,), jnp.float32),
    ],
)
def _adjacency_sc(src_hbm, dst_hbm, a_hbm, src_v, dst_v, deg_v, a_v):
    wid = lax.axis_index("s") * 2 + lax.axis_index("c")

    @pl.when(wid == 0)
    def _():
        pltpu.sync_copy(src_hbm, src_v)
        pltpu.sync_copy(dst_hbm, dst_v)
        s = src_v[...]
        d = dst_v[...]

        deg_v[...] = jnp.zeros((16,), jnp.float32)
        plsc.addupdate_scatter(deg_v, [d], jnp.ones((16,), jnp.float32))

        x = deg_v[...]
        i = lax.bitcast_convert_type(x, jnp.int32)
        i = 0x5F3759DF - (i >> 1)
        y = lax.bitcast_convert_type(i, jnp.float32)
        for _ in range(3):
            y = y * (1.5 - 0.5 * x * y * y)
        deg_v[...] = y

        norm = plsc.load_gather(deg_v, [s]) * plsc.load_gather(deg_v, [d])
        a_v[...] = jnp.zeros((16,), jnp.float32)
        plsc.addupdate_scatter(a_v, [d * 4 + s], norm)
        pltpu.sync_copy(a_v, a_hbm)



def _dense_kernel(a_ref, x_ref, wc1_ref, bc1_ref, wc2_ref, bc2_ref,
                  w1_ref, b1_ref, w2_ref, b2_ref, w3_ref, b3_ref,
                  w4_ref, b4_ref, out_ref):
    A = a_ref[...]
    x = x_ref[...]

    h1 = _dot_exact(A, _dot(x, wc1_ref[...])) + bc1_ref[...]
    h2 = _dot_exact(A, _dot(h1, wc2_ref[...])) + bc2_ref[...]

    x1 = jnp.concatenate([h2[0:1, :], h2[1:2, :], h2[2:3, :], h2[3:4, :]],
                         axis=1)

    x2 = _dot(x1, w1_ref[...]) + b1_ref[...]
    o = _dot(x2, w2_ref[...]) + b2_ref[...]
    o = _dot(o, w3_ref[...]) + b3_ref[...]
    o = o + x1 + x2
    out_ref[...] = jnp.sum(o * w4_ref[...], axis=1, keepdims=True) \
        + b4_ref[...]


@jax.jit
def _run(x, edge_index, Wc1, bc1, Wc2, bc2, W1, b1, W2, b2, W3, b3, W4, b4):
    sl = jnp.arange(4, dtype=jnp.int32)
    src = jnp.concatenate([edge_index[0], sl])
    dst = jnp.concatenate([edge_index[1], sl])
    a_flat = _adjacency_sc(src, dst)
    A = a_flat.reshape(4, 4)

    out = pl.pallas_call(
        _dense_kernel,
        out_shape=jax.ShapeDtypeStruct((1, 1), jnp.float32),
    )(A, x,
      Wc1, bc1.reshape(1, -1),
      Wc2, bc2.reshape(1, -1),
      W1, b1.reshape(1, -1),
      W2, b2.reshape(1, -1),
      W3, b3.reshape(1, -1),
      W4.reshape(1, -1), b4.reshape(1, -1))
    return out.reshape(1)


def kernel(x, edge_index, Wc1, bc1, Wc2, bc2, W1, b1, W2, b2, W3, b3, W4, b4):
    return _run(x, edge_index, Wc1, bc1, Wc2, bc2,
                W1, b1, W2, b2, W3, b3, W4, b4)

# --- scband reference (transcript-rebuilt; emitter-appended) ---
"""Pipeline reference for scband-network-37924561224237 (READ-ONLY COPY).

The authoritative reference and input builder live on the scoring server;
editing this copy changes nothing except your own understanding.
"""

import jax, jax.numpy as jnp
import numpy as np


def gcn_layer(x, edge_index, W, b):
    # PyG-style GCNConv: add self loops, symmetric normalization, scatter-add aggregation
    num_nodes = x.shape[0]
    src = edge_index[0]
    dst = edge_index[1]
    sl = jnp.arange(num_nodes, dtype=src.dtype)
    src = jnp.concatenate([src, sl])
    dst = jnp.concatenate([dst, sl])
    deg = jnp.zeros((num_nodes,), dtype=x.dtype).at[dst].add(1.0)
    dinv = jnp.where(deg > 0, 1.0 / jnp.sqrt(deg), 0.0)
    norm = dinv[src] * dinv[dst]
    h = x @ W
    msg = h[src] * norm[:, None]
    out = jnp.zeros((num_nodes, h.shape[1]), dtype=x.dtype).at[dst].add(msg)
    return out + b


def setup_inputs(seed: int = 0) -> dict:
    key = jax.random.key(seed)
    ks = jax.random.split(key, 16)
    N = 4  # forced: torch.flatten after conv2 (64-dim) must equal 256 => N = 4
    x = jax.random.normal(ks[0], (N, 14), dtype=jnp.float32)
    edge_index = jax.random.randint(ks[1], (2, 12), 0, N, dtype=jnp.int32)
    s = 0.1
    inp = {
        'x': x,
        'edge_index': edge_index,
        'Wc1': s * jax.random.normal(ks[2], (14, 128), dtype=jnp.float32),
        'bc1': jnp.zeros((128,), dtype=jnp.float32),
        'Wc2': s * jax.random.normal(ks[3], (128, 64), dtype=jnp.float32),
        'bc2': jnp.zeros((64,), dtype=jnp.float32),
        'W1': s * jax.random.normal(ks[4], (256, 256), dtype=jnp.float32),
        'b1': jnp.zeros((256,), dtype=jnp.float32),
        'W2': s * jax.random.normal(ks[5], (256, 256), dtype=jnp.float32),
        'b2': jnp.zeros((256,), dtype=jnp.float32),
        'W3': s * jax.random.normal(ks[6], (256, 256), dtype=jnp.float32),
        'b3': jnp.zeros((256,), dtype=jnp.float32),
        'W4': s * jax.random.normal(ks[7], (256, 1), dtype=jnp.float32),
        'b4': jnp.zeros((1,), dtype=jnp.float32),
    }
    return inp


def reference(x, edge_index, Wc1, bc1, Wc2, bc2, W1, b1, W2, b2, W3, b3, W4, b4):
    h = gcn_layer(x, edge_index, Wc1, bc1)
    h = gcn_layer(h, edge_index, Wc2, bc2)
    x1 = h.reshape(-1)            # flatten -> (256,)
    x2 = x1 @ W1 + b1
    out = x2 @ W2 + b2
    out = out @ W3 + b3
    out = out + x1 + x2
    # dropout(p=0.5) in eval mode: identity
    out = out @ W4 + b4
    return out

if __name__ == "__main__":
    import jax
    _d = setup_inputs()
    print(jax.jit(kernel)(*tuple(_d.values())))

</pallas_src>

<mosaic_0001>
#map = affine_map<(d0, d1) -> (0)>
module attributes {stable_mosaic.version = 14 : i64} {
  func.func @_adjacency_sc(%arg0: i32, %arg1: i32, %arg2: memref<16xi32, #tpu.memory_space<hbm>>, %arg3: memref<16xi32, #tpu.memory_space<hbm>>, %arg4: memref<16xf32, #tpu.memory_space<hbm>>, %arg5: memref<16xi32, #tpu.memory_space<vmem>>, %arg6: memref<16xi32, #tpu.memory_space<vmem>>, %arg7: memref<16xf32, #tpu.memory_space<vmem>>, %arg8: memref<16xf32, #tpu.memory_space<vmem>>) attributes {dimension_semantics = [#tpu.dimension_semantics<core_parallel>, #tpu.dimension_semantics<subcore_parallel>], iteration_bounds = array<i64: 1, 1>, scalar_prefetch = 0 : i64, scratch_operands = 4 : i64, tpu.core_type = #tpu.core_type<sc_vector_subcore>, window_params = [{transform_indices = #map}, {transform_indices = #map}, {transform_indices = #map}]} {
    %mul3A = arith.constant 2 : i32
    %mul3A_0 = arith.muli %arg1, %mul3A : i32
    %add3A = arith.addi %mul3A_0, %arg0 : i32
    %eq3A = arith.constant 0 : i32
    %eq3A_1 = arith.cmpi eq, %add3A, %eq3A : i32
    %convert_element_type3A = arith.extui %eq3A_1 : i1 to i32
    %cond3A = arith.constant 0 : i32
    %cond3A_2 = arith.cmpi ne, %convert_element_type3A, %cond3A : i32
    scf.if %cond3A_2 {
      "tpu.region"() ({
        %run_scoped3A = tpu.sem_alloc : memref<!tpu.dma_semaphore, #tpu.memory_space<semaphore_mem>>
        tpu.enqueue_dma source(%arg2 : memref<16xi32, #tpu.memory_space<hbm>>) target(%arg5 : memref<16xi32, #tpu.memory_space<vmem>>) target_semaphore(%run_scoped3A : memref<!tpu.dma_semaphore, #tpu.memory_space<semaphore_mem>>)
        tpu.wait_dma2 semaphore(%run_scoped3A : memref<!tpu.dma_semaphore, #tpu.memory_space<semaphore_mem>>) src(%arg2 : memref<16xi32, #tpu.memory_space<hbm>>) dst(%arg5 : memref<16xi32, #tpu.memory_space<vmem>>)
        tpu.yield
      }) : () -> ()
      "tpu.region"() ({
        %run_scoped3A = tpu.sem_alloc : memref<!tpu.dma_semaphore, #tpu.memory_space<semaphore_mem>>
        tpu.enqueue_dma source(%arg3 : memref<16xi32, #tpu.memory_space<hbm>>) target(%arg6 : memref<16xi32, #tpu.memory_space<vmem>>) target_semaphore(%run_scoped3A : memref<!tpu.dma_semaphore, #tpu.memory_space<semaphore_mem>>)
        tpu.wait_dma2 semaphore(%run_scoped3A : memref<!tpu.dma_semaphore, #tpu.memory_space<semaphore_mem>>) src(%arg3 : memref<16xi32, #tpu.memory_space<hbm>>) dst(%arg6 : memref<16xi32, #tpu.memory_space<vmem>>)
        tpu.yield
      }) : () -> ()
      %get3A = arith.constant 0 : index
      %get3A_3 = tpu.vector_load %arg5[%get3A] {strides = array<i32>} : memref<16xi32, #tpu.memory_space<vmem>>, vector<16xi32>,
      %get3A_4 = arith.constant 0 : index
      %get3A_5 = tpu.vector_load %arg6[%get3A_4] {strides = array<i32>} : memref<16xi32, #tpu.memory_space<vmem>>, vector<16xi32>,
      %broadcast_in_dim3A = arith.constant 0.000000e+00 : f32
      %broadcast_in_dim3A_6 = vector.broadcast %broadcast_in_dim3A : f32 to vector<16xf32>
      %swap3A = arith.constant 0 : index
      %swap3A_7 = tpu.vector_load %arg7[%swap3A] {strides = array<i32>} : memref<16xf32, #tpu.memory_space<vmem>>, vector<16xf32>,
      tpu.vector_store %arg7[%swap3A], %broadcast_in_dim3A_6 {strides = array<i32>} : memref<16xf32, #tpu.memory_space<vmem>>, vector<16xf32>,
      %broadcast_in_dim3A_8 = arith.constant 1.000000e+00 : f32
      %broadcast_in_dim3A_9 = vector.broadcast %broadcast_in_dim3A_8 : f32 to vector<16xf32>
      tpu.vector_store_idx %arg7[%get3A_5], %broadcast_in_dim3A_9 {add = true} : memref<16xf32, #tpu.memory_space<vmem>>[vector<16xi32>], vector<16xf32>,
      %get3A_10 = arith.constant 0 : index
      %get3A_11 = tpu.vector_load %arg7[%get3A_10] {strides = array<i32>} : memref<16xf32, #tpu.memory_space<vmem>>, vector<16xf32>,
      %bitcast_convert_type3A = tpu.bitcast %get3A_11 : vector<16xf32> -> vector<16xi32>
      %shift_right_arithmetic3A = arith.constant 1 : i32
      %shift_right_arithmetic3A_12 = vector.broadcast %shift_right_arithmetic3A : i32 to vector<16xi32>
      %shift_right_arithmetic3A_13 = arith.shrsi %bitcast_convert_type3A, %shift_right_arithmetic3A_12 : vector<16xi32>
      %sub3A = arith.constant 1597463007 : i32
      %sub3A_14 = vector.broadcast %sub3A : i32 to vector<16xi32>
      %sub3A_15 = arith.subi %sub3A_14, %shift_right_arithmetic3A_13 : vector<16xi32>
      %bitcast_convert_type3A_16 = tpu.bitcast %sub3A_15 : vector<16xi32> -> vector<16xf32>
      %mul3A_17 = arith.constant 5.000000e-01 : f32
      %mul3A_18 = vector.broadcast %mul3A_17 : f32 to vector<16xf32>
      %mul3A_19 = arith.mulf %mul3A_18, %get3A_11 : vector<16xf32>
      %mul3A_20 = arith.mulf %mul3A_19, %bitcast_convert_type3A_16 : vector<16xf32>
      %mul3A_21 = arith.mulf %mul3A_20, %bitcast_convert_type3A_16 : vector<16xf32>
      %sub3A_22 = arith.constant 1.500000e+00 : f32
      %sub3A_23 = vector.broadcast %sub3A_22 : f32 to vector<16xf32>
      %sub3A_24 = arith.subf %sub3A_23, %mul3A_21 : vector<16xf32>
      %mul3A_25 = arith.mulf %bitcast_convert_type3A_16, %sub3A_24 : vector<16xf32>
      %mul3A_26 = arith.constant 5.000000e-01 : f32
      %mul3A_27 = vector.broadcast %mul3A_26 : f32 to vector<16xf32>
      %mul3A_28 = arith.mulf %mul3A_27, %get3A_11 : vector<16xf32>
      %mul3A_29 = arith.mulf %mul3A_28, %mul3A_25 : vector<16xf32>
      %mul3A_30 = arith.mulf %mul3A_29, %mul3A_25 : vector<16xf32>
      %sub3A_31 = arith.constant 1.500000e+00 : f32
      %sub3A_32 = vector.broadcast %sub3A_31 : f32 to vector<16xf32>
      %sub3A_33 = arith.subf %sub3A_32, %mul3A_30 : vector<16xf32>
      %mul3A_34 = arith.mulf %mul3A_25, %sub3A_33 : vector<16xf32>
      %mul3A_35 = arith.constant 5.000000e-01 : f32
      %mul3A_36 = vector.broadcast %mul3A_35 : f32 to vector<16xf32>
      %mul3A_37 = arith.mulf %mul3A_36, %get3A_11 : vector<16xf32>
      %mul3A_38 = arith.mulf %mul3A_37, %mul3A_34 : vector<16xf32>
      %mul3A_39 = arith.mulf %mul3A_38, %mul3A_34 : vector<16xf32>
      %sub3A_40 = arith.constant 1.500000e+00 : f32
      %sub3A_41 = vector.broadcast %sub3A_40 : f32 to vector<16xf32>
      %sub3A_42 = arith.subf %sub3A_41, %mul3A_39 : vector<16xf32>
      %mul3A_43 = arith.mulf %mul3A_34, %sub3A_42 : vector<16xf32>
      %swap3A_44 = arith.constant 0 : index
      %swap3A_45 = tpu.vector_load %arg7[%swap3A_44] {strides = array<i32>} : memref<16xf32, #tpu.memory_space<vmem>>, vector<16xf32>,
      tpu.vector_store %arg7[%swap3A_44], %mul3A_43 {strides = array<i32>} : memref<16xf32, #tpu.memory_space<vmem>>, vector<16xf32>,
      %gather3A = tpu.vector_load_idx %arg7[%get3A_3] : memref<16xf32, #tpu.memory_space<vmem>>[vector<16xi32>], vector<16xf32>,
      %gather3A_46 = tpu.vector_load_idx %arg7[%get3A_5] : memref<16xf32, #tpu.memory_space<vmem>>[vector<16xi32>], vector<16xf32>,
      %mul3A_47 = arith.mulf %gather3A, %gather3A_46 : vector<16xf32>
      %broadcast_in_dim3A_48 = arith.constant 0.000000e+00 : f32
      %broadcast_in_dim3A_49 = vector.broadcast %broadcast_in_dim3A_48 : f32 to vector<16xf32>
      %swap3A_50 = arith.constant 0 : index
      %swap3A_51 = tpu.vector_load %arg8[%swap3A_50] {strides = array<i32>} : memref<16xf32, #tpu.memory_space<vmem>>, vector<16xf32>,
      tpu.vector_store %arg8[%swap3A_50], %broadcast_in_dim3A_49 {strides = array<i32>} : memref<16xf32, #tpu.memory_space<vmem>>, vector<16xf32>,
      %mul3A_52 = arith.constant 4 : i32
      %mul3A_53 = vector.broadcast %mul3A_52 : i32 to vector<16xi32>
      %mul3A_54 = arith.muli %get3A_5, %mul3A_53 : vector<16xi32>
      %add3A_55 = arith.addi %mul3A_54, %get3A_3 : vector<16xi32>
      tpu.vector_store_idx %arg8[%add3A_55], %mul3A_47 {add = true} : memref<16xf32, #tpu.memory_space<vmem>>[vector<16xi32>], vector<16xf32>,
      "tpu.region"() ({
        %run_scoped3A = tpu.sem_alloc : memref<!tpu.dma_semaphore, #tpu.memory_space<semaphore_mem>>
        tpu.enqueue_dma source(%arg8 : memref<16xf32, #tpu.memory_space<vmem>>) target(%arg4 : memref<16xf32, #tpu.memory_space<hbm>>) target_semaphore(%run_scoped3A : memref<!tpu.dma_semaphore, #tpu.memory_space<semaphore_mem>>)
        tpu.wait_dma2 semaphore(%run_scoped3A : memref<!tpu.dma_semaphore, #tpu.memory_space<semaphore_mem>>) src(%arg8 : memref<16xf32, #tpu.memory_space<vmem>>) dst(%arg4 : memref<16xf32, #tpu.memory_space<hbm>>)
        tpu.yield
      }) : () -> ()
    } else {
    }
    return
  }
}

module attributes {stable_mosaic.version = 14 : i64} {
  func.func @_dense_kernel(%arg0: memref<4x4xf32, #tpu.memory_space<vmem>>, %arg1: memref<4x14xf32, #tpu.memory_space<vmem>>, %arg2: memref<14x128xf32, #tpu.memory_space<vmem>>, %arg3: memref<1x128xf32, #tpu.memory_space<vmem>>, %arg4: memref<128x64xf32, #tpu.memory_space<vmem>>, %arg5: memref<1x64xf32, #tpu.memory_space<vmem>>, %arg6: memref<256x256xf32, #tpu.memory_space<vmem>>, %arg7: memref<1x256xf32, #tpu.memory_space<vmem>>, %arg8: memref<256x256xf32, #tpu.memory_space<vmem>>, %arg9: memref<1x256xf32, #tpu.memory_space<vmem>>, %arg10: memref<256x256xf32, #tpu.memory_space<vmem>>, %arg11: memref<1x256xf32, #tpu.memory_space<vmem>>, %arg12: memref<1x256xf32, #tpu.memory_space<vmem>>, %arg13: memref<1x1xf32, #tpu.memory_space<vmem>>, %arg14: memref<1x1xf32, #tpu.memory_space<vmem>>) attributes {dimension_semantics = [], scalar_prefetch = 0 : i64, scratch_operands = 0 : i64, tpu.core_type = #tpu.core_type<tc>} {
    %get3A = arith.constant 0 : index
    %get3A_0 = arith.constant 0 : index
    %get3A_1 = vector.load %arg0[%get3A, %get3A_0] : memref<4x4xf32, #tpu.memory_space<vmem>>, vector<4x4xf32>
    %get3A_2 = arith.constant 0 : index
    %get3A_3 = arith.constant 0 : index
    %get3A_4 = vector.load %arg1[%get3A_2, %get3A_3] : memref<4x14xf32, #tpu.memory_space<vmem>>, vector<4x14xf32>
    %get3A_5 = arith.constant 0 : index
    %get3A_6 = arith.constant 0 : index
    %get3A_7 = vector.load %arg2[%get3A_5, %get3A_6] : memref<14x128xf32, #tpu.memory_space<vmem>>, vector<14x128xf32>
    %dot_general3A = arith.constant dense<0.000000e+00> : vector<4x128xf32>
    %dot_general3A_8 = tpu.matmul %get3A_4, %get3A_7, %dot_general3A {dimension_numbers = #tpu.dot_dimension_numbers<[1], [0], [0], [1], [0, 0, 1, 1], [], []>, transpose_lhs_hint = false} : vector<4x14xf32>, vector<14x128xf32>, vector<4x128xf32> -> vector<4x128xf32>
    %dot_general3A_9 = arith.constant dense<0.000000e+00> : vector<4x128xf32>
    %dot_general3A_10 = tpu.matmul %get3A_1, %dot_general3A_8, %dot_general3A_9 {dimension_numbers = #tpu.dot_dimension_numbers<[1], [0], [0], [1], [0, 0, 1, 1], [], []>, precision = #tpu.contract_precision<fp32>, transpose_lhs_hint = false} : vector<4x4xf32>, vector<4x128xf32>, vector<4x128xf32> -> vector<4x128xf32>
    %get3A_11 = arith.constant 0 : index
    %get3A_12 = arith.constant 0 : index
    %get3A_13 = vector.load %arg3[%get3A_11, %get3A_12] : memref<1x128xf32, #tpu.memory_space<vmem>>, vector<1x128xf32>
    %add3A = vector.broadcast %get3A_13 : vector<1x128xf32> to vector<4x128xf32>
    %add3A_14 = arith.addf %dot_general3A_10, %add3A : vector<4x128xf32>
    %get3A_15 = arith.constant 0 : index
    %get3A_16 = arith.constant 0 : index
    %get3A_17 = vector.load %arg4[%get3A_15, %get3A_16] : memref<128x64xf32, #tpu.memory_space<vmem>>, vector<128x64xf32>
    %dot_general3A_18 = arith.constant dense<0.000000e+00> : vector<4x64xf32>
    %dot_general3A_19 = tpu.matmul %add3A_14, %get3A_17, %dot_general3A_18 {dimension_numbers = #tpu.dot_dimension_numbers<[1], [0], [0], [1], [0, 0, 1, 1], [], []>, transpose_lhs_hint = false} : vector<4x128xf32>, vector<128x64xf32>, vector<4x64xf32> -> vector<4x64xf32>
    %dot_general3A_20 = arith.constant dense<0.000000e+00> : vector<4x64xf32>
    %dot_general3A_21 = tpu.matmul %get3A_1, %dot_general3A_19, %dot_general3A_20 {dimension_numbers = #tpu.dot_dimension_numbers<[1], [0], [0], [1], [0, 0, 1, 1], [], []>, precision = #tpu.contract_precision<fp32>, transpose_lhs_hint = false} : vector<4x4xf32>, vector<4x64xf32>, vector<4x64xf32> -> vector<4x64xf32>
    %get3A_22 = arith.constant 0 : index
    %get3A_23 = arith.constant 0 : index
    %get3A_24 = vector.load %arg5[%get3A_22, %get3A_23] : memref<1x64xf32, #tpu.memory_space<vmem>>, vector<1x64xf32>
    %add3A_25 = vector.broadcast %get3A_24 : vector<1x64xf32> to vector<4x64xf32>
    %add3A_26 = arith.addf %dot_general3A_21, %add3A_25 : vector<4x64xf32>
    %slice3A = vector.extract_strided_slice %add3A_26 {offsets = [0, 0], sizes = [1, 64], strides = [1, 1]} : vector<4x64xf32> to vector<1x64xf32>
    %slice3A_27 = vector.extract_strided_slice %add3A_26 {offsets = [1, 0], sizes = [1, 64], strides = [1, 1]} : vector<4x64xf32> to vector<1x64xf32>
    %slice3A_28 = vector.extract_strided_slice %add3A_26 {offsets = [2, 0], sizes = [1, 64], strides = [1, 1]} : vector<4x64xf32> to vector<1x64xf32>
    %slice3A_29 = vector.extract_strided_slice %add3A_26 {offsets = [3, 0], sizes = [1, 64], strides = [1, 1]} : vector<4x64xf32> to vector<1x64xf32>
    %concatenate3A = tpu.concatenate %slice3A, %slice3A_27, %slice3A_28, %slice3A_29 in 1 : vector<1x64xf32>, vector<1x64xf32>, vector<1x64xf32>, vector<1x64xf32> -> vector<1x256xf32>
    %get3A_30 = arith.constant 0 : index
    %get3A_31 = arith.constant 0 : index
    %get3A_32 = vector.load %arg6[%get3A_30, %get3A_31] : memref<256x256xf32, #tpu.memory_space<vmem>>, vector<256x256xf32>
    %dot_general3A_33 = arith.constant dense<0.000000e+00> : vector<1x256xf32>
    %dot_general3A_34 = tpu.matmul %concatenate3A, %get3A_32, %dot_general3A_33 {dimension_numbers = #tpu.dot_dimension_numbers<[1], [0], [0], [1], [0, 0, 1, 1], [], []>, transpose_lhs_hint = false} : vector<1x256xf32>, vector<256x256xf32>, vector<1x256xf32> -> vector<1x256xf32>
    %get3A_35 = arith.constant 0 : index
    %get3A_36 = arith.constant 0 : index
    %get3A_37 = vector.load %arg7[%get3A_35, %get3A_36] : memref<1x256xf32, #tpu.memory_space<vmem>>, vector<1x256xf32>
    %add3A_38 = arith.addf %dot_general3A_34, %get3A_37 : vector<1x256xf32>
    %get3A_39 = arith.constant 0 : index
    %get3A_40 = arith.constant 0 : index
    %get3A_41 = vector.load %arg8[%get3A_39, %get3A_40] : memref<256x256xf32, #tpu.memory_space<vmem>>, vector<256x256xf32>
    %dot_general3A_42 = arith.constant dense<0.000000e+00> : vector<1x256xf32>
    %dot_general3A_43 = tpu.matmul %add3A_38, %get3A_41, %dot_general3A_42 {dimension_numbers = #tpu.dot_dimension_numbers<[1], [0], [0], [1], [0, 0, 1, 1], [], []>, transpose_lhs_hint = false} : vector<1x256xf32>, vector<256x256xf32>, vector<1x256xf32> -> vector<1x256xf32>
    %get3A_44 = arith.constant 0 : index
    %get3A_45 = arith.constant 0 : index
    %get3A_46 = vector.load %arg9[%get3A_44, %get3A_45] : memref<1x256xf32, #tpu.memory_space<vmem>>, vector<1x256xf32>
    %add3A_47 = arith.addf %dot_general3A_43, %get3A_46 : vector<1x256xf32>
    %get3A_48 = arith.constant 0 : index
    %get3A_49 = arith.constant 0 : index
    %get3A_50 = vector.load %arg10[%get3A_48, %get3A_49] : memref<256x256xf32, #tpu.memory_space<vmem>>, vector<256x256xf32>
    %dot_general3A_51 = arith.constant dense<0.000000e+00> : vector<1x256xf32>
    %dot_general3A_52 = tpu.matmul %add3A_47, %get3A_50, %dot_general3A_51 {dimension_numbers = #tpu.dot_dimension_numbers<[1], [0], [0], [1], [0, 0, 1, 1], [], []>, transpose_lhs_hint = false} : vector<1x256xf32>, vector<256x256xf32>, vector<1x256xf32> -> vector<1x256xf32>
    %get3A_53 = arith.constant 0 : index
    %get3A_54 = arith.constant 0 : index
    %get3A_55 = vector.load %arg11[%get3A_53, %get3A_54] : memref<1x256xf32, #tpu.memory_space<vmem>>, vector<1x256xf32>
    %add3A_56 = arith.addf %dot_general3A_52, %get3A_55 : vector<1x256xf32>
    %add3A_57 = arith.addf %add3A_56, %concatenate3A : vector<1x256xf32>
    %add3A_58 = arith.addf %add3A_57, %add3A_38 : vector<1x256xf32>
    %get3A_59 = arith.constant 0 : index
    %get3A_60 = arith.constant 0 : index
    %get3A_61 = vector.load %arg12[%get3A_59, %get3A_60] : memref<1x256xf32, #tpu.memory_space<vmem>>, vector<1x256xf32>
    %mul3A = arith.mulf %add3A_58, %get3A_61 : vector<1x256xf32>
    %reduce_sum3A = arith.constant dense<0.000000e+00> : vector<1xf32>
    %reduce_sum3A_62 = vector.multi_reduction <add>, %mul3A, %reduce_sum3A [1] : vector<1x256xf32> to vector<1xf32>
    %broadcast_in_dim3A = vector.shape_cast %reduce_sum3A_62 : vector<1xf32> to vector<1x1xf32>
    %get3A_63 = arith.constant 0 : index
    %get3A_64 = arith.constant 0 : index
    %get3A_65 = vector.load %arg13[%get3A_63, %get3A_64] : memref<1x1xf32, #tpu.memory_space<vmem>>, vector<1x1xf32>
    %add3A_66 = arith.addf %broadcast_in_dim3A, %get3A_65 : vector<1x1xf32>
    %swap3A = arith.constant 0 : index
    %swap3A_67 = arith.constant 0 : index
    %swap3A_68 = vector.load %arg14[%swap3A, %swap3A_67] : memref<1x1xf32, #tpu.memory_space<vmem>>, vector<1x1xf32>
    tpu.vector_store %arg14[%swap3A, %swap3A_67], %add3A_66 {strides = array<i32>} : memref<1x1xf32, #tpu.memory_space<vmem>>, vector<1x1xf32>,
    return
  }
}

</mosaic_0001>

<sc_bundles>
// kernel: _run.4.cloned.1.call-start
scs
__scs_entry_jumppad:
0x0: {  	(pc) =	sbr.rel $0x88, $3  }
0x1: {  	(tag) =	ssettag $0x0;
	lr =	simm.s32 $0x1  }
0x2: {  	[smem:$0x3F93] =	sst lr;
	_ =	strace $0xD0000000  }
0x3: {  	_ = 	snop  }
0x4: {  	_ = 	snop  }
0x5: {  	_ = 	snop  }
0x6: {  	_ = 	snop  }
0x7: {  	_ = 	snop  }
__scs_overlays_trampoline_lowered:
0x8: {  	[smem:$0x3FA2] =	sst s0  }
0x9: {  	[smem:$0x3FA3] =	sst s1  }
0xa: {  	[smem:$0x3FA4] =	sst s2  }
0xb: {  	[smem:$0x3FA5] =	sst s3  }
0xc: {  	[smem:$0x3FA6] =	sst s4  }
0xd: {  	[smem:$0x3FA7] =	sst s5  }
0xe: {  	[smem:$0x3FA8] =	sst s6  }
0xf: {  	[smem:$0x3FA9] =	sst s7  }
0x10: {  	[smem:$0x3FAA] =	sst s8  }
0x11: {  	[smem:$0x3FAB] =	sst s9;
	s0 =	simm.s32 @!p0 $0x0  }
0x12: {  	s1 =	sld [smem:$0x3F91];
	s0 =	simm.s32 @p0 $0x1  }
0x13: {  	[smem:$0x3FAC] =	sst s0;
	s0 =	simm.s32 @!p1 $0x0  }
0x14: {  	s2 =	sld [smem:$0x3F90];
	s0 =	simm.s32 @p1 $0x1  }
0x15: {  	[smem:$0x3FAD] =	sst s0;
	s0 =	simm.s32 @!p2 $0x0  }
0x16: {  	s3 =	sld [smem:$0x3FDB];
	s0 =	simm.s32 @p2 $0x1  }
0x17: {  	s4 =	simm.s32 $0x1BF5;
	[smem:$0x3FAF] =	sst s0  }
0x18: {  	s0 =	sld [smem:$0x3F92];
	_ =	swait.ge [sflag:s4], $0x0  }
0x19: {  	s7 =	sld [smem:$0x3F93]  }
0x1a: {  	s8 =	sadd.s32 $0xFFFFE003, lr  }
0x1b: {  	s9 =	sadd.s32 $0xFFFFFEF7, lr;
	s5 =	simm.s32 $0xFFFFFFFF;
	p2 =	slt.u32 s8, $0xFFFFF086  }
0x1c: {  	p1 =	slt.u32 s9, $0xF7A;
	s5 =	simm.s32 @!p2 $0x0  }
0x1d: {  	s5 =	simm.s32 @p1 $0x1;
	p0 =	seq.s32 s7, s2  }
0x1e: {  	s7 =	smul.u32 @!p0 $0xF7A, s2;
	p2 =	seq.s32 @!p0 s5, $0x0  }
0x1f: {  	s9 =	smul.u32 $0xF7A, s1;
	s8 =	simm.s32 @!p0 $0x1BF5;
	p2 =	por !p2, p0  }
0x20: {  	[sflag:s8] =	ssyncset.s32 @!p0 $0xFFFFF086;
	s6 =	sadd.s32 @!p0 s3, s7;
	s7 =	simm.s32 @!p0 $0x108  }
0x21: {  	s3 =	sadd.s32 s3, s9;
	s6 =	sadd.s32 @!p0 $0x88, s6;
	s7 =	simm.s32 @p2 $0x1082  }
0x22: {  	[simem:s7], [sflag:s8] =	dma.local @!p0 [hbm:s6], $0xF7A  }
0x23: {  	s9 =	sor.u32 $0xD0000000, s2;
	s6 =	simm.s32 $0x108;
	_ =	swait.ge @!p0 [sflag:s8], $0x0  }
0x24: {  	s3 =	sadd.s32 $0x88, s3;
	s6 =	simm.s32 @!p1 $0x1082;
	[sflag:s4] =	ssyncset.s32 $0xFFFFF086  }
0x25: {  	[simem:s6], [sflag:s4] =	dma.local [hbm:s3], $0xF7A  }
0x26: {  	[smem:$0x3F93] =	sst s1;
	(tag) =	ssettag s2;
	_ =	strace s9  }
0x27: {  	s1 =	sld [smem:$0x3FA3]  }
0x28: {  	s2 =	sld [smem:$0x3FA4]  }
0x29: {  	s4 =	sld [smem:$0x3FA6]  }
0x2a: {  	p0 =	seq.s32 s5, $0x0;
	s5 =	sld [smem:$0x3FA7]  }
0x2b: {  	s6 =	sld [smem:$0x3FA8]  }
0x2c: {  	s7 =	sld [smem:$0x3FA9]  }
0x2d: {  	s3 =	simm.s32 $0x108;
	s8 =	sld [smem:$0x3FAA]  }
0x2e: {  	s3 =	simm.s32 @!p0 $0x1082;
	s9 =	sld [smem:$0x3FAB]  }
0x2f: {  	lr =	sadd.s32 s0, s3;
	s0 =	sld [smem:$0x3FA2]  }
0x30: {  	s3 =	sld [smem:$0x3FA5]  }
0x31: {  	[smem:$0x3FAE] =	sst s10  }
0x32: {  	s10 =	sld [smem:$0x3FAC];
	_ =	sdelay $0x3  }
0x33: {  	p0 =	seq.s32 s10, $0x1;
	s10 =	sld [smem:$0x3FAE];
	_ =	sdelay $0x3  }
0x34: {  	[smem:$0x3FAE] =	sst s10  }
0x35: {  	s10 =	sld [smem:$0x3FAD];
	_ =	sdelay $0x3  }
0x36: {  	p1 =	seq.s32 s10, $0x1;
	s10 =	sld [smem:$0x3FAE];
	_ =	sdelay $0x3  }
0x37: {  	[smem:$0x3FAE] =	sst s10  }
0x38: {  	s10 =	sld [smem:$0x3FAF]  }
0x39: {  	_ = 	snop;
	(pc) =	sbr.ind lr, $3  }
0x3a: {  	_ = 	snop  }
0x3b: {  	_ = 	snop  }
0x3c: {  	p2 =	seq.s32 s10, $0x1;
	s10 =	sld [smem:$0x3FAE]  }
0x3d: {  	_ =	shalt  }
0x3e: {  	_ =	shalt  }
0x3f: {  	_ =	shalt  }
0x40: {  	_ =	shalt  }
0x41: {  	_ =	shalt  }
0x42: {  	_ =	shalt  }
0x43: {  	_ =	shalt  }
0x44: {  	_ =	shalt  }
0x45: {  	_ =	shalt  }
0x46: {  	_ =	shalt  }
0x47: {  	_ =	shalt  }
0x48: {  	_ =	shalt  }
0x49: {  	_ =	shalt  }
0x4a: {  	_ =	shalt  }
0x4b: {  	_ =	shalt  }
0x4c: {  	_ =	shalt  }
0x4d: {  	_ =	shalt  }
0x4e: {  	_ =	shalt  }
0x4f: {  	_ =	shalt  }
0x50: {  	_ =	shalt  }
0x51: {  	_ =	shalt  }
0x52: {  	_ =	shalt  }
0x53: {  	_ =	shalt  }
0x54: {  	_ =	shalt  }
0x55: {  	_ =	shalt  }
0x56: {  	_ =	shalt  }
0x57: {  	_ =	shalt  }
0x58: {  	_ =	shalt  }
0x59: {  	_ =	shalt  }
0x5a: {  	_ =	shalt  }
0x5b: {  	_ =	shalt  }
0x5c: {  	_ =	shalt  }
0x5d: {  	_ =	shalt  }
0x5e: {  	_ =	shalt  }
0x5f: {  	_ =	shalt  }
0x60: {  	_ =	shalt  }
0x61: {  	_ =	shalt  }
0x62: {  	_ =	shalt  }
0x63: {  	_ =	shalt  }
0x64: {  	_ =	shalt  }
0x65: {  	_ =	shalt  }
0x66: {  	_ =	shalt  }
0x67: {  	_ =	shalt  }
0x68: {  	_ =	shalt  }
0x69: {  	_ =	shalt  }
0x6a: {  	_ =	shalt  }
0x6b: {  	_ =	shalt  }
0x6c: {  	_ =	shalt  }
0x6d: {  	_ =	shalt  }
0x6e: {  	_ =	shalt  }
0x6f: {  	_ =	shalt  }
0x70: {  	_ =	shalt  }
0x71: {  	_ =	shalt  }
0x72: {  	_ =	shalt  }
0x73: {  	_ =	shalt  }
0x74: {  	_ =	shalt  }
0x75: {  	_ =	shalt  }
0x76: {  	_ =	shalt  }
0x77: {  	_ =	shalt  }
0x78: {  	_ =	shalt  }
0x79: {  	_ =	shalt  }
0x7a: {  	_ =	shalt  }
0x7b: {  	_ =	shalt  }
0x7c: {  	_ =	shalt  }
0x7d: {  	_ =	shalt  }
0x7e: {  	_ =	shalt  }
0x7f: {  	_ =	shalt  }
0x80: {  	_ =	shalt  }
0x81: {  	_ =	shalt  }
0x82: {  	_ =	shalt  }
0x83: {  	_ =	shalt  }
0x84: {  	_ =	shalt  }
0x85: {  	_ =	shalt  }
0x86: {  	_ =	shalt  }
0x87: {  	_ =	shalt  }
.Lfunc_end0:
.L_simem_size_0:
called_computation_lowered:
.L_overlay_start_0:
0x88: {  	s0 =	sld [smem:$0x3FD9]  }
0x89: {  	s1 =	sld [smem:$0x3FFE];
	_ =	sdelay $0x3  }
0x8a: {  	s0 =	sadd.s32 s1, s0  }
0x8b: {  	[smem:$0x3FBA] =	sst s0  }
0x8c: {  	_ = 	snop  }
0x8d: {  	s0 =	sld [smem:$0x3FD0];
	(tm) =	ssettm $0x1  }
0x8e: {  	s16 =	sld [smem:$0x3FFB];
	_ =	sdelay $0x3  }
0x8f: {  	_ =	strace s16  }
0x90: {  	s1 =	sld [smem:$0x3FFC];
	_ =	sdelay $0x3  }
0x91: {  	_ =	strace s1  }
0x92: {  	s1 =	sld [smem:$0x3FFD];
	_ =	sdelay $0x3  }
0x93: {  	_ =	strace s1  }
0x94: {  	_ =	strace $0x8FFFFFFF  }
0x95: {  	s17 =	sld [smem:$0x3FDB];
	_ =	sdelay $0x1  }
0x96: {  	s2 =	simm.s32 $_scs_section_size  }
0x97: {  	s3 =	simm.s32 $_size__tile_overlayer_lowered;
	s4 =	simm.s32 $_tile_overlayer_lowered  }
0x98: {  	s20 =	simm.s32 $0x1BFF;
	s19 =	sshll.u32 s4, $0x1;
	s1 =	sadd.s32 s2, s17  }
0x99: {  	s5 =	simm.s32 $0x0;
	s18 =	sshll.u32 s3, $0x1;
	s3 =	sadd.s32 s19, s1  }
0x9a: {  	[timem:s5], [sflag:s20] =	dma.local [hbm:s3], s18  }
0x9b: {  	_ =	swait.ge [sflag:s20], s18  }
0x9c: {  	s2 =	ssub.s32 $0x0, s18;
	[sflag:s20] =	ssyncset.done $0x0  }
0x9d: {  	[sflag:s20] =	ssyncadd.s32 s2;
	_ =	sdelay $0x1  }
0x9e: {  	s21 =	simm.s32 $0x1B8B  }
0x9f: {  	_ =	swait.ge [sflag:s21], $0x1  }
0xa0: {  	[sflag:s21] =	ssyncset.done $0x0  }
0xa1: {  	s23 =	simm.s32 $0x1B8E;
	s22 =	sld [smem:$0x3FFE];
	[sflag:s21] =	ssyncadd.s32 $0xFFFFFFFF  }
0xa2: {  	s24 =	simm.s32 $execute0_lowered;
	[smem:$0x3FD2] =	sst s23  }
0xa3: {  	s3 =	sshll.u32 s24, $0x1;
	_ =	strace $0x80000046;
	[dreg:$0x1] =	wrdreg $0xFFFFFFFF  }
0xa4: {  	s25 =	simm.s32 $_size_execute0_lowered;
	s1 =	sadd.s32 s1, s3;
	[dreg:$0x0] =	wrdreg $0x0  }
0xa5: {  	s3 =	sshll.u32 s25, $0x1;
	[dreg:$0x2] =	wrdreg s1  }
0xa6: {  	[dreg:$0x3] =	wrdreg s3  }
0xa7: {  	[dreg:$0x4] =	wrdreg $0xC0  }
0xa8: {  	_ =	task [dreg:s5], $0x5FFFF  }
0xa9: {  	[dreg:$0x1] =	wrdreg $0xFFFFFFFF  }
0xaa: {  	[dreg:$0x0] =	wrdreg $0x60  }
0xab: {  	[dreg:$0x2] =	wrdreg s22  }
0xac: {  	[dreg:$0x3] =	wrdreg s0  }
0xad: {  	[dreg:$0x4] =	wrdreg $0x9  }
0xae: {  	_ =	task.clear_ibuf [dreg:s5], $0x5FFFF;
	_ =	strace $0x90000046  }
0xaf: {  	s26 =	simm.s32 $0x9;
	_ =	strace $0x80000048  }
0xb0: {  	_ =	swait.ge [sflag:s26], $0x1  }
0xb1: {  	[sflag:s26] =	ssyncadd.s32 $0xFFFFFFFF  }
0xb2: {  	_ =	strace $0x90000048  }
0xb3: {  	_ =	sfence  }
0xb4: {  	s28 =	sld [smem:$0x0];
	_ =	sdelay $0x1  }
0xb5: {  	s29 =	srdreg.scid  }
0xb6: {  	s30 =	sshll.u32 s29, $0xD;
	s31 =	sshrl.u32 s29, $0x2  }
0xb7: {  	s2 =	sand.u32 $0x4000, s30;
	s1 =	sand.u32 $0x1, s29;
	s0 =	sadd.s32 s31, s28  }
0xb8: {  	s1 =	sor.u32 s2, s1;
	s0 =	sshll.u32 s0, $0x11  }
0xb9: {  	s0 =	sor.u32 s0, s1  }
0xba: {  	s0 =	sadd.s32 $0x8F2B, s0  }
0xbb: {  	[sflag:s0] =	ssyncadd.remote.s32 $0x1  }
0xbc: {  	_ =	sfence.sel $0xFFFF  }
0xbd: {  	[dreg:$0x0] =	wrdreg $0xFFFFFFFF;
	(pc) =	sbr.abs _section_cstart, $3  }
0xbe: {  	[dreg:$0x1] =	wrdreg $0xFFFFFFFF  }
0xbf: {  	_ =	task.clear_ibuf [dreg:s5], $0x2FFFF;
	_ =	strace $0x9FFFFFFF  }
0xc0: {  	(tm) =	ssettm $0x7FFFFFFF  }
0xc1: {  	_ =	shalt  }
tec
execute0_lowered:
.L_overlay_start_1:
0x0: {  	(tag) =	ssettag $0x1  }
0x1: {  	s0 =	rddreg [dreg:$0x0]  }
0x2: {  	s1 =	rddreg [dreg:$0x1];
	s2 =	stileid.u32  }
0x3: {  	s3 =	rddreg [dreg:$0x2];
	p0 =	sne.s32 s2, $0x0  }
0x4: {  	_ =	strace $0x80000047;
	s2 =	sadd.s32 $0x2000, s0;
	s4 =	simm.s32 @!p0 $0x0  }
0x5: {  	[tilespmem:s4], [sflag:$0x1] =	stream.linear.gather @!p0 [hbm4b:s2+s4], $0x80, $0x38;
	[tilespmem:$0x200] =	vst v63  }
0x6: {  	s2 =	simm.s32 @!p0 $0x1  }
0x7: {  	_ =	swait.ge @!p0 [sflag:s2], $0x80  }
0x8: {  	[sflag:s2] =	ssyncset.done @!p0 $0x0  }
0x9: {  	s5 =	simm.s32 @!p0 $0x80;
	[sflag:s2] =	ssyncadd.s32 @!p0 $0xFFFFFF80  }
0xa: {  	[tilespmem:s5], [sflag:$0x1] =	stream.linear.gather @!p0 [hbm4b:s1+s4], $0x80, $0x38;
	[tilespmem:$0x200] =	vst v63  }
0xb: {  	_ =	swait.ge @!p0 [sflag:s2], $0x80  }
0xc: {  	[sflag:s2] =	ssyncset.done @!p0 $0x0  }
0xd: {  	[sflag:s2] =	ssyncadd.s32 @!p0 $0xFFFFFF80  }
0xe: {  	v0 =	vld @!p0 [tilespmem:$0x80];
	_ =	sdelay $0x5  }
0xf: {  	v1 =	vimm.f32 @!p0 $0.0e+00  }
0x10: {  	v3 =	vimm.f32 @!p0 $1.000000000e+00;
	s1 =	simm.s32 @!p0 $0x100;
	v2 =	vld @!p0 [tilespmem:$0x0];
	[tilespmem:$0x100] =	vst @!p0 v1  }
0x11: {  	[tilespmem:v0+s1+$0x0] =	vst.idx.add.f32.msk @!p0 $0xffff, v3  }
0x12: {  	v3 =	vld @!p0 [tilespmem:$0x100];
	_ =	sdelay $0x4  }
0x13: {  	v4 =	vshra.s32 @!p0 v3, $0x1;
	v3 =	vmul.f32 @!p0 $5.000000000e-01, v3  }
0x14: {  	v4 =	vsub.s32 @!p0 $0x5F3759DF, v4  }
0x15: {  	v5 =	vmul.f32 @!p0 v4, v3;
	_ =	sdelay $0x1  }
0x16: {  	v5 =	vmul.f32 @!p0 v4, v5;
	_ =	sdelay $0x1  }
0x17: {  	v5 =	vsub.f32 @!p0 $1.500000000e+00, v5;
	_ =	sdelay $0x1  }
0x18: {  	v4 =	vmul.f32 @!p0 v4, v5;
	_ =	sdelay $0x1  }
0x19: {  	v5 =	vmul.f32 @!p0 v4, v3;
	_ =	sdelay $0x1  }
0x1a: {  	v5 =	vmul.f32 @!p0 v5, v4;
	_ =	sdelay $0x1  }
0x1b: {  	v5 =	vsub.f32 @!p0 $1.500000000e+00, v5;
	_ =	sdelay $0x1  }
0x1c: {  	v4 =	vmul.f32 @!p0 v5, v4;
	_ =	sdelay $0x1  }
0x1d: {  	v3 =	vmul.f32 @!p0 v4, v3;
	_ =	sdelay $0x1  }
0x1e: {  	v3 =	vmul.f32 @!p0 v3, v4;
	_ =	sdelay $0x1  }
0x1f: {  	v3 =	vsub.f32 @!p0 $1.500000000e+00, v3;
	_ =	sdelay $0x1  }
0x20: {  	v3 =	vmul.f32 @!p0 v3, v4;
	_ =	sdelay $0x1  }
0x21: {  	[tilespmem:$0x100] =	vst @!p0 v3  }
0x22: {  	v3 =	vld.idx.msk @!p0 [tilespmem:v2+s1+$0x0], $0xffff  }
0x23: {  	v4 =	vld.idx.msk @!p0 [tilespmem:v0+s1+$0x0], $0xffff  }
0x24: {  	v0 =	vshll.u32 @!p0 v0, $0x2  }
0x25: {  	v0 =	vadd.s32 @!p0 v2, v0;
	_ =	sdelay $0x2  }
0x26: {  	v2 =	vmul.f32 @!p0 v4, v3  }
0x27: {  	[tilespmem:$0x180] =	vst @!p0 v1;
	s1 =	simm.s32 @!p0 $0x180  }
0x28: {  	s0 =	sadd.s32 $0x2200, s0;
	[tilespmem:v0+s1+$0x0] =	vst.idx.add.f32.msk @!p0 $0xffff, v2  }
0x29: {  	[hbm4b:s0+s4] =	stream.linear.scatter @!p0 [tilespmem:s1], [sflag:$0x1], $0x80, $0x38;
	[tilespmem:$0x200] =	vst v63  }
0x2a: {  	_ =	swait.ge @!p0 [sflag:s2], $0x80  }
0x2b: {  	[sflag:s2] =	ssyncset.done @!p0 $0x0  }
0x2c: {  	[sflag:s2] =	ssyncadd.s32 @!p0 $0xFFFFFF80  }
0x2d: {  	_ =	sfence.sel $0x180000  }
0x2e: {  	[bflag:$0x0] =	sbarrier.arrive $0xFFFF  }
0x2f: {  	_ =	strace $0x90000047  }
0x30: {  	s0 =	sadd.s32 @!p0 $0x100000, s3;
	[bflag:$0x2] =	sbarrier.arrive $0xFFFF  }
0x31: {  	[sflag:s0] =	ssyncadd.tile.s32 @!p0 $0x1;
	_ =	shalt  }
.Lfunc_end2:
_tile_overlayer_lowered:
.L_overlay_start_2:
0x32: {  	(tag) =	ssettag $0x2  }
0x33: {  	s0 =	rddreg [dreg:$0x0];
	s2 =	stileid.u32  }
0x34: {  	s1 =	rddreg [dreg:$0x1];
	p0 =	sne.s32 s2, $0x0  }
0x35: {  	s3 =	rddreg [dreg:$0x2];
	[bflag:$0x3] =	sbarrier.arrive $0xFFFF;
	s2 =	simm.s32 @!p0 $0x1C01  }
0x36: {  	[timem:s3], [sflag:s2] =	dma.local @!p0 [hbm:s0], s1  }
0x37: {  	s0 =	simm.s32 @!p0 $0x1  }
0x38: {  	_ =	swait.ge @!p0 [sflag:s0], s1  }
0x39: {  	s1 =	ssub.s32 @!p0 $0x0, s1;
	[sflag:s0] =	ssyncset.done @!p0 $0x0  }
0x3a: {  	[sflag:s0] =	ssyncadd.s32 @!p0 s1  }
0x3b: {  	[bflag:$0x3] =	sbarrier.arrive $0xFFFF  }
0x3c: {  	_ =	shalt  }

</sc_bundles>
